<compile_context>
chip_gen: v7x
topology: tpu7x:2x2x1
jax: 0.10.2.dev20260603
libtpu: 0.0.44.dev20260713+nightly
codegen_flags: <defaults>
</compile_context>

<pallas_src>
import functools

import jax
import jax.numpy as jnp
import numpy as np
from jax import lax
from jax.experimental import pallas as pl
from jax.experimental.pallas import tpu as pltpu
from jax.experimental.pallas import tpu_sc as plsc

_DIM = 32
_NCODES = 8192
_ROWS = 8192
_RB = 1024
_CB = 2048


def _round_to_bf16_f32(x):
    u = lax.bitcast_convert_type(x, jnp.uint32)
    r = u + jnp.uint32(0x7FFF) + ((u >> jnp.uint32(16)) & jnp.uint32(1))
    return lax.bitcast_convert_type(r & jnp.uint32(0xFFFF0000), jnp.float32)


def _argmin_body(z_ref, zb_ref, cb_ref, cb16_ref, ema_ref,
                 idx_ref, table_ref, perp_ref):
    z = z_ref[...]
    znorm = jnp.sum(z * z, axis=1)
    zb = zb_ref[...]

    def chunk(c, carry):
        dmin, imin = carry
        cb = cb_ref[pl.ds(c * _CB, _CB), :]
        cnorm = jnp.sum(cb * cb, axis=1)
        prod = lax.dot_general(
            zb, cb16_ref[pl.ds(c * _CB, _CB), :], (((1,), (1,)), ((), ())),
            preferred_element_type=jnp.float32,
        )
        d = znorm[:, None] - prod + cnorm[None, :]
        dchunk = jnp.min(d, axis=1)
        iota = lax.broadcasted_iota(jnp.int32, d.shape, 1)
        ichunk = jnp.min(
            jnp.where(d == dchunk[:, None], iota, jnp.int32(2**30)), axis=1
        ) + c * _CB
        upd = dchunk < dmin
        return (jnp.where(upd, _round_to_bf16_f32(dchunk), dmin),
                jnp.where(upd, ichunk, imin))

    dmin0 = jnp.full((_RB,), jnp.inf, jnp.float32)
    imin0 = jnp.zeros((_RB,), jnp.int32)
    _, imin = lax.fori_loop(0, _NCODES // _CB, chunk, (dmin0, imin0))
    idx_ref[...] = imin

    @pl.when(pl.program_id(0) == 0)
    def _():
        pe = jnp.maximum(ema_ref[...], jnp.float32(1e-9))
        logpe = jnp.log(pe)
        col = lax.broadcasted_iota(jnp.int32, (_NCODES, 16), 1)
        table_ref[...] = jnp.where(
            col == 0,
            jnp.broadcast_to(pe, (_NCODES, 16)),
            jnp.broadcast_to(logpe, (_NCODES, 16)),
        )
        perp_ref[...] = jnp.broadcast_to(jnp.exp(-jnp.sum(pe * logpe)), (1, 1))


def _nearest_code(z_flat, codebook, ema_probs):
    return pl.pallas_call(
        _argmin_body,
        grid=(_ROWS // _RB,),
        in_specs=[
            pl.BlockSpec((_RB, _DIM), lambda i: (i, 0)),
            pl.BlockSpec((_RB, _DIM), lambda i: (i, 0)),
            pl.BlockSpec((_NCODES, _DIM), lambda i: (0, 0)),
            pl.BlockSpec((_NCODES, _DIM), lambda i: (0, 0)),
            pl.BlockSpec((_NCODES, 1), lambda i: (0, 0)),
        ],
        out_specs=[
            pl.BlockSpec((_RB,), lambda i: (i,)),
            pl.BlockSpec((_NCODES, 16), lambda i: (0, 0)),
            pl.BlockSpec((1, 1), lambda i: (0, 0)),
        ],
        out_shape=[
            jax.ShapeDtypeStruct((_ROWS,), jnp.int32),
            jax.ShapeDtypeStruct((_NCODES, 16), jnp.float32),
            jax.ShapeDtypeStruct((1, 1), jnp.float32),
        ],
    )(z_flat, (z_flat.astype(jnp.bfloat16) * jnp.bfloat16(2)), codebook,
      codebook.astype(jnp.bfloat16), ema_probs.reshape(_NCODES, 1))


def _sc_gather(indices, codebook, table):
    info = plsc.get_sparse_core_info()
    nw = info.num_cores * info.num_subcores
    bpw = _ROWS // nw
    nj = bpw // 128
    mesh = plsc.VectorSubcoreMesh(core_axis_name="c", subcore_axis_name="s")

    @functools.partial(
        pl.kernel,
        mesh=mesh,
        compiler_params=pltpu.CompilerParams(use_tc_tiling_on_sc=False),
        out_type=[
            jax.ShapeDtypeStruct((_ROWS, _DIM), jnp.float32),
            jax.ShapeDtypeStruct((_ROWS, 16), jnp.float32),
        ],
        scratch_types=[
            pltpu.VMEM((nj, 128), jnp.int32),
            pltpu.VMEM((bpw, _DIM), jnp.float32),
            pltpu.VMEM((bpw, 16), jnp.float32),
            pltpu.SemaphoreType.DMA,
        ],
    )
    def gather(idx_hbm, cb_hbm, tab_hbm, hard_hbm, probs_hbm,
               idx_v, rows_v, probs_v, sem):
        wid = lax.axis_index("s") * info.num_cores + lax.axis_index("c")
        base = wid * bpw
        pltpu.sync_copy(idx_hbm.at[pl.ds(wid * nj, nj)], idx_v)
        cps = []
        for j in range(nj):
            cps.append(pltpu.async_copy(
                cb_hbm.at[idx_v.at[j]], rows_v.at[pl.ds(j * 128, 128)], sem))
            cps.append(pltpu.async_copy(
                tab_hbm.at[idx_v.at[j]], probs_v.at[pl.ds(j * 128, 128)], sem))
        for cp in cps:
            cp.wait()
        pltpu.sync_copy(rows_v, hard_hbm.at[pl.ds(base, bpw)])
        pltpu.sync_copy(probs_v, probs_hbm.at[pl.ds(base, bpw)])

    hard, out16 = gather(indices.reshape(_ROWS // 128, 128), codebook, table)
    return hard, out16[:, 0], out16[:, 1]


def kernel(z, codebook, ema_probs):
    n, c, h, w = z.shape
    z_flat = jnp.transpose(z, (0, 2, 3, 1)).reshape(-1, c)
    indices, table, perp = _nearest_code(z_flat, codebook, ema_probs)
    hard, pclip, logp = _sc_gather(indices, codebook, table)
    hard_spatial = jnp.transpose(hard.reshape(n, h, w, c), (0, 3, 1, 2))
    return (
        hard_spatial,
        hard_spatial,
        indices.reshape(n, h, w),
        pclip.reshape(n, h, w),
        logp.reshape(n, h, w),
        perp.reshape(()),
    )

# --- scband reference (transcript-rebuilt; emitter-appended) ---
"""Pipeline reference for scband-differentiable-vector-quantizer-87033217286406 (READ-ONLY COPY).

The authoritative reference and input builder live on the scoring server;
editing this copy changes nothing except your own understanding.
"""

import jax, jax.numpy as jnp
import numpy as np

DIM = 32
NUM_CODES = 8192
SIGMA = float(np.sqrt(max(0.001, 1e-12)))


def setup_inputs(seed: int = 0) -> dict:
    key = jax.random.key(seed)
    k1, k2 = jax.random.split(key)
    z = jax.random.normal(k1, (8, 32, 32, 32), dtype=jnp.float32)
    codebook = jax.random.normal(k2, (NUM_CODES, DIM), dtype=jnp.float32)
    ema_probs = jnp.full((NUM_CODES,), 1.0 / NUM_CODES, dtype=jnp.float32)
    return {"z": z, "codebook": codebook, "ema_probs": ema_probs}


def reference(z, codebook, ema_probs):
    n, c, h, w = z.shape
    # _flatten_z: [N,C,H,W] -> [N*H*W, C]
    z_flat = jnp.transpose(z, (0, 2, 3, 1)).reshape(-1, c)
    # _nearest_code: squared euclidean distance argmin over codebook
    d = (jnp.sum(z_flat ** 2, axis=1, keepdims=True)
         - 2.0 * (z_flat @ codebook.T)
         + jnp.sum(codebook ** 2, axis=1)[None, :])
    indices = jnp.argmin(d, axis=1)
    # hard = F.embedding(indices, codebook)
    hard = jnp.take(codebook, indices, axis=0)
    # _differentiable_projection (DiVeQ): approx = hard + sigma * (z - hard) / ||z - hard||
    diff = z_flat - hard
    norm = jnp.clip(jnp.linalg.norm(diff, axis=-1, keepdims=True), 1e-12, None)
    approx = hard + SIGMA * diff / norm
    # straight-through: quantized = approx + stop_grad(hard - approx)
    quantized_flat = approx + jax.lax.stop_gradient(hard - approx)
    quantized = jnp.transpose(quantized_flat.reshape(n, h, w, c), (0, 3, 1, 2))
    hard_spatial = jnp.transpose(hard.reshape(n, h, w, c), (0, 3, 1, 2))
    # _lookup_probs: gather ema_probs at indices, clamp
    probs = jnp.clip(jnp.take(ema_probs, indices), 1e-9, None)
    log_probs = jnp.log(probs)
    likelihoods = probs.reshape(n, h, w)
    log_likelihoods = log_probs.reshape(n, h, w)
    # _perplexity from ema_probs buffer
    p = jnp.clip(ema_probs, 1e-9, None)
    perplexity = jnp.exp(-jnp.sum(p * jnp.log(p)))
    return (quantized, hard_spatial, indices.reshape(n, h, w), likelihoods, log_likelihoods, perplexity)

if __name__ == "__main__":
    import jax
    _d = setup_inputs()
    print(jax.jit(kernel)(*tuple(_d.values())))

</pallas_src>

<mosaic_0001>
#map = affine_map<(d0, d1) -> (0, 0)>
module attributes {stable_mosaic.version = 14 : i64} {
  func.func @gather(%arg0: i32, %arg1: i32, %arg2: memref<64x128xi32, #tpu.memory_space<hbm>>, %arg3: memref<8192x32xf32, #tpu.memory_space<hbm>>, %arg4: memref<8192x16xf32, #tpu.memory_space<hbm>>, %arg5: memref<8192x32xf32, #tpu.memory_space<hbm>>, %arg6: memref<8192x16xf32, #tpu.memory_space<hbm>>, %arg7: memref<2x128xi32, #tpu.memory_space<vmem>>, %arg8: memref<256x32xf32, #tpu.memory_space<vmem>>, %arg9: memref<256x16xf32, #tpu.memory_space<vmem>>, %arg10: memref<!tpu.dma_semaphore, #tpu.memory_space<semaphore_mem>>) attributes {dimension_semantics = [#tpu.dimension_semantics<core_parallel>, #tpu.dimension_semantics<subcore_parallel>], iteration_bounds = array<i64: 2, 16>, scalar_prefetch = 0 : i64, scratch_operands = 4 : i64, tpu.core_type = #tpu.core_type<sc_vector_subcore>, window_params = [{transform_indices = #map}, {transform_indices = #map}, {transform_indices = #map}, {transform_indices = #map}, {transform_indices = #map}]} {
    %mul3A = arith.constant 2 : i32
    %mul3A_0 = arith.muli %arg1, %mul3A : i32
    %add3A = arith.addi %mul3A_0, %arg0 : i32
    %mul3A_1 = arith.constant 256 : i32
    %mul3A_2 = arith.muli %add3A, %mul3A_1 : i32
    %mul3A_3 = arith.constant 2 : i32
    %mul3A_4 = arith.muli %add3A, %mul3A_3 : i32
    "tpu.region"() ({
      %run_scoped3A = tpu.sem_alloc : memref<!tpu.dma_semaphore, #tpu.memory_space<semaphore_mem>>
      %dma_start3A_83 = arith.constant 0 : i32
      %dma_start3A_84 = tpu.memref_slice %arg2[%mul3A_4, %dma_start3A_83] : memref<64x128xi32, #tpu.memory_space<hbm>> -> memref<2x128xi32, #tpu.memory_space<hbm>>
      %dma_start3A_85 = arith.constant 0 : i32
      %dma_start3A_86 = tpu.memref_slice %arg2[%mul3A_4, %dma_start3A_85] : memref<64x128xi32, #tpu.memory_space<hbm>> -> memref<2x128xi32, #tpu.memory_space<hbm>>
      tpu.enqueue_dma source(%dma_start3A_86 : memref<2x128xi32, #tpu.memory_space<hbm>>) target(%arg7 : memref<2x128xi32, #tpu.memory_space<vmem>>) target_semaphore(%run_scoped3A : memref<!tpu.dma_semaphore, #tpu.memory_space<semaphore_mem>>)
      %dma_wait3A_87 = arith.constant 0 : i32
      %dma_wait3A_88 = tpu.memref_slice %arg2[%mul3A_4, %dma_wait3A_87] : memref<64x128xi32, #tpu.memory_space<hbm>> -> memref<2x128xi32, #tpu.memory_space<hbm>>
      %dma_wait3A_89 = arith.constant 0 : i32
      %dma_wait3A_90 = tpu.memref_slice %arg2[%mul3A_4, %dma_wait3A_89] : memref<64x128xi32, #tpu.memory_space<hbm>> -> memref<2x128xi32, #tpu.memory_space<hbm>>
      tpu.wait_dma2 semaphore(%run_scoped3A : memref<!tpu.dma_semaphore, #tpu.memory_space<semaphore_mem>>) src(%dma_wait3A_90 : memref<2x128xi32, #tpu.memory_space<hbm>>) dst(%arg7 : memref<2x128xi32, #tpu.memory_space<vmem>>)
      tpu.yield
    }) : () -> ()
    %dma_start3A = arith.constant 0 : i32
    %dma_start3A_5 = arith.constant 0 : i32
    %dma_start3A_6 = arith.constant 0 : i32
    %dma_start3A_7 = tpu.memref_slice %arg8[%dma_start3A_5, %dma_start3A_6] : memref<256x32xf32, #tpu.memory_space<vmem>> -> memref<128x32xf32, #tpu.memory_space<vmem>>
    %dma_start3A_8 = arith.constant 0 : i32
    %dma_start3A_9 = tpu.memref_slice %arg7[%dma_start3A, %dma_start3A_8] : memref<2x128xi32, #tpu.memory_space<vmem>> -> memref<1x128xi32, #tpu.memory_space<vmem>>
    %dma_start3A_10 = tpu.memref_squeeze %dma_start3A_9 : memref<1x128xi32, #tpu.memory_space<vmem>> -> memref<128xi32, #tpu.memory_space<vmem>>
    %dma_start3A_11 = arith.constant 0 : i32
    %dma_start3A_12 = arith.constant 0 : i32
    %dma_start3A_13 = tpu.memref_slice %arg3[%dma_start3A_11, %dma_start3A_12] : memref<8192x32xf32, #tpu.memory_space<hbm>> -> memref<8192x32xf32, #tpu.memory_space<hbm>>
    tpu.enqueue_indirect_dma source(%dma_start3A_13 : memref<8192x32xf32, #tpu.memory_space<hbm>>) target(%dma_start3A_7 : memref<128x32xf32, #tpu.memory_space<vmem>>) offsets(%dma_start3A_10 : memref<128xi32, #tpu.memory_space<vmem>>) semaphore(%arg10 : memref<!tpu.dma_semaphore, #tpu.memory_space<semaphore_mem>>)
    %dma_start3A_14 = arith.constant 0 : i32
    %dma_start3A_15 = arith.constant 0 : i32
    %dma_start3A_16 = arith.constant 0 : i32
    %dma_start3A_17 = tpu.memref_slice %arg9[%dma_start3A_15, %dma_start3A_16] : memref<256x16xf32, #tpu.memory_space<vmem>> -> memref<128x16xf32, #tpu.memory_space<vmem>>
    %dma_start3A_18 = arith.constant 0 : i32
    %dma_start3A_19 = tpu.memref_slice %arg7[%dma_start3A_14, %dma_start3A_18] : memref<2x128xi32, #tpu.memory_space<vmem>> -> memref<1x128xi32, #tpu.memory_space<vmem>>
    %dma_start3A_20 = tpu.memref_squeeze %dma_start3A_19 : memref<1x128xi32, #tpu.memory_space<vmem>> -> memref<128xi32, #tpu.memory_space<vmem>>
    %dma_start3A_21 = arith.constant 0 : i32
    %dma_start3A_22 = arith.constant 0 : i32
    %dma_start3A_23 = tpu.memref_slice %arg4[%dma_start3A_21, %dma_start3A_22] : memref<8192x16xf32, #tpu.memory_space<hbm>> -> memref<8192x16xf32, #tpu.memory_space<hbm>>
    tpu.enqueue_indirect_dma source(%dma_start3A_23 : memref<8192x16xf32, #tpu.memory_space<hbm>>) target(%dma_start3A_17 : memref<128x16xf32, #tpu.memory_space<vmem>>) offsets(%dma_start3A_20 : memref<128xi32, #tpu.memory_space<vmem>>) semaphore(%arg10 : memref<!tpu.dma_semaphore, #tpu.memory_space<semaphore_mem>>)
    %dma_start3A_24 = arith.constant 1 : i32
    %dma_start3A_25 = arith.constant 128 : i32
    %dma_start3A_26 = arith.constant 0 : i32
    %dma_start3A_27 = tpu.memref_slice %arg8[%dma_start3A_25, %dma_start3A_26] : memref<256x32xf32, #tpu.memory_space<vmem>> -> memref<128x32xf32, #tpu.memory_space<vmem>>
    %dma_start3A_28 = arith.constant 0 : i32
    %dma_start3A_29 = tpu.memref_slice %arg7[%dma_start3A_24, %dma_start3A_28] : memref<2x128xi32, #tpu.memory_space<vmem>> -> memref<1x128xi32, #tpu.memory_space<vmem>>
    %dma_start3A_30 = tpu.memref_squeeze %dma_start3A_29 : memref<1x128xi32, #tpu.memory_space<vmem>> -> memref<128xi32, #tpu.memory_space<vmem>>
    %dma_start3A_31 = arith.constant 0 : i32
    %dma_start3A_32 = arith.constant 0 : i32
    %dma_start3A_33 = tpu.memref_slice %arg3[%dma_start3A_31, %dma_start3A_32] : memref<8192x32xf32, #tpu.memory_space<hbm>> -> memref<8192x32xf32, #tpu.memory_space<hbm>>
    tpu.enqueue_indirect_dma source(%dma_start3A_33 : memref<8192x32xf32, #tpu.memory_space<hbm>>) target(%dma_start3A_27 : memref<128x32xf32, #tpu.memory_space<vmem>>) offsets(%dma_start3A_30 : memref<128xi32, #tpu.memory_space<vmem>>) semaphore(%arg10 : memref<!tpu.dma_semaphore, #tpu.memory_space<semaphore_mem>>)
    %dma_start3A_34 = arith.constant 1 : i32
    %dma_start3A_35 = arith.constant 128 : i32
    %dma_start3A_36 = arith.constant 0 : i32
    %dma_start3A_37 = tpu.memref_slice %arg9[%dma_start3A_35, %dma_start3A_36] : memref<256x16xf32, #tpu.memory_space<vmem>> -> memref<128x16xf32, #tpu.memory_space<vmem>>
    %dma_start3A_38 = arith.constant 0 : i32
    %dma_start3A_39 = tpu.memref_slice %arg7[%dma_start3A_34, %dma_start3A_38] : memref<2x128xi32, #tpu.memory_space<vmem>> -> memref<1x128xi32, #tpu.memory_space<vmem>>
    %dma_start3A_40 = tpu.memref_squeeze %dma_start3A_39 : memref<1x128xi32, #tpu.memory_space<vmem>> -> memref<128xi32, #tpu.memory_space<vmem>>
    %dma_start3A_41 = arith.constant 0 : i32
    %dma_start3A_42 = arith.constant 0 : i32
    %dma_start3A_43 = tpu.memref_slice %arg4[%dma_start3A_41, %dma_start3A_42] : memref<8192x16xf32, #tpu.memory_space<hbm>> -> memref<8192x16xf32, #tpu.memory_space<hbm>>
    tpu.enqueue_indirect_dma source(%dma_start3A_43 : memref<8192x16xf32, #tpu.memory_space<hbm>>) target(%dma_start3A_37 : memref<128x16xf32, #tpu.memory_space<vmem>>) offsets(%dma_start3A_40 : memref<128xi32, #tpu.memory_space<vmem>>) semaphore(%arg10 : memref<!tpu.dma_semaphore, #tpu.memory_space<semaphore_mem>>)
    %dma_wait3A = arith.constant 0 : i32
    %dma_wait3A_44 = arith.constant 0 : i32
    %dma_wait3A_45 = arith.constant 0 : i32
    %dma_wait3A_46 = tpu.memref_slice %arg8[%dma_wait3A_44, %dma_wait3A_45] : memref<256x32xf32, #tpu.memory_space<vmem>> -> memref<128x32xf32, #tpu.memory_space<vmem>>
    %dma_wait3A_47 = arith.constant 0 : i32
    %dma_wait3A_48 = tpu.memref_slice %arg7[%dma_wait3A, %dma_wait3A_47] : memref<2x128xi32, #tpu.memory_space<vmem>> -> memref<1x128xi32, #tpu.memory_space<vmem>>
    %dma_wait3A_49 = tpu.memref_squeeze %dma_wait3A_48 : memref<1x128xi32, #tpu.memory_space<vmem>> -> memref<128xi32, #tpu.memory_space<vmem>>
    %dma_wait3A_50 = arith.constant 0 : i32
    %dma_wait3A_51 = arith.constant 0 : i32
    %dma_wait3A_52 = tpu.memref_slice %arg3[%dma_wait3A_50, %dma_wait3A_51] : memref<8192x32xf32, #tpu.memory_space<hbm>> -> memref<8192x32xf32, #tpu.memory_space<hbm>>
    tpu.wait_indirect_dma semaphore(%arg10 : memref<!tpu.dma_semaphore, #tpu.memory_space<semaphore_mem>>) src(%dma_wait3A_52 : memref<8192x32xf32, #tpu.memory_space<hbm>>) dst(%dma_wait3A_46 : memref<128x32xf32, #tpu.memory_space<vmem>>)
    %dma_wait3A_53 = arith.constant 0 : i32
    %dma_wait3A_54 = arith.constant 0 : i32
    %dma_wait3A_55 = arith.constant 0 : i32
    %dma_wait3A_56 = tpu.memref_slice %arg9[%dma_wait3A_54, %dma_wait3A_55] : memref<256x16xf32, #tpu.memory_space<vmem>> -> memref<128x16xf32, #tpu.memory_space<vmem>>
    %dma_wait3A_57 = arith.constant 0 : i32
    %dma_wait3A_58 = tpu.memref_slice %arg7[%dma_wait3A_53, %dma_wait3A_57] : memref<2x128xi32, #tpu.memory_space<vmem>> -> memref<1x128xi32, #tpu.memory_space<vmem>>
    %dma_wait3A_59 = tpu.memref_squeeze %dma_wait3A_58 : memref<1x128xi32, #tpu.memory_space<vmem>> -> memref<128xi32, #tpu.memory_space<vmem>>
    %dma_wait3A_60 = arith.constant 0 : i32
    %dma_wait3A_61 = arith.constant 0 : i32
    %dma_wait3A_62 = tpu.memref_slice %arg4[%dma_wait3A_60, %dma_wait3A_61] : memref<8192x16xf32, #tpu.memory_space<hbm>> -> memref<8192x16xf32, #tpu.memory_space<hbm>>
    tpu.wait_indirect_dma semaphore(%arg10 : memref<!tpu.dma_semaphore, #tpu.memory_space<semaphore_mem>>) src(%dma_wait3A_62 : memref<8192x16xf32, #tpu.memory_space<hbm>>) dst(%dma_wait3A_56 : memref<128x16xf32, #tpu.memory_space<vmem>>)
    %dma_wait3A_63 = arith.constant 1 : i32
    %dma_wait3A_64 = arith.constant 128 : i32
    %dma_wait3A_65 = arith.constant 0 : i32
    %dma_wait3A_66 = tpu.memref_slice %arg8[%dma_wait3A_64, %dma_wait3A_65] : memref<256x32xf32, #tpu.memory_space<vmem>> -> memref<128x32xf32, #tpu.memory_space<vmem>>
    %dma_wait3A_67 = arith.constant 0 : i32
    %dma_wait3A_68 = tpu.memref_slice %arg7[%dma_wait3A_63, %dma_wait3A_67] : memref<2x128xi32, #tpu.memory_space<vmem>> -> memref<1x128xi32, #tpu.memory_space<vmem>>
    %dma_wait3A_69 = tpu.memref_squeeze %dma_wait3A_68 : memref<1x128xi32, #tpu.memory_space<vmem>> -> memref<128xi32, #tpu.memory_space<vmem>>
    %dma_wait3A_70 = arith.constant 0 : i32
    %dma_wait3A_71 = arith.constant 0 : i32
    %dma_wait3A_72 = tpu.memref_slice %arg3[%dma_wait3A_70, %dma_wait3A_71] : memref<8192x32xf32, #tpu.memory_space<hbm>> -> memref<8192x32xf32, #tpu.memory_space<hbm>>
    tpu.wait_indirect_dma semaphore(%arg10 : memref<!tpu.dma_semaphore, #tpu.memory_space<semaphore_mem>>) src(%dma_wait3A_72 : memref<8192x32xf32, #tpu.memory_space<hbm>>) dst(%dma_wait3A_66 : memref<128x32xf32, #tpu.memory_space<vmem>>)
    %dma_wait3A_73 = arith.constant 1 : i32
    %dma_wait3A_74 = arith.constant 128 : i32
    %dma_wait3A_75 = arith.constant 0 : i32
    %dma_wait3A_76 = tpu.memref_slice %arg9[%dma_wait3A_74, %dma_wait3A_75] : memref<256x16xf32, #tpu.memory_space<vmem>> -> memref<128x16xf32, #tpu.memory_space<vmem>>
    %dma_wait3A_77 = arith.constant 0 : i32
    %dma_wait3A_78 = tpu.memref_slice %arg7[%dma_wait3A_73, %dma_wait3A_77] : memref<2x128xi32, #tpu.memory_space<vmem>> -> memref<1x128xi32, #tpu.memory_space<vmem>>
    %dma_wait3A_79 = tpu.memref_squeeze %dma_wait3A_78 : memref<1x128xi32, #tpu.memory_space<vmem>> -> memref<128xi32, #tpu.memory_space<vmem>>
    %dma_wait3A_80 = arith.constant 0 : i32
    %dma_wait3A_81 = arith.constant 0 : i32
    %dma_wait3A_82 = tpu.memref_slice %arg4[%dma_wait3A_80, %dma_wait3A_81] : memref<8192x16xf32, #tpu.memory_space<hbm>> -> memref<8192x16xf32, #tpu.memory_space<hbm>>
    tpu.wait_indirect_dma semaphore(%arg10 : memref<!tpu.dma_semaphore, #tpu.memory_space<semaphore_mem>>) src(%dma_wait3A_82 : memref<8192x16xf32, #tpu.memory_space<hbm>>) dst(%dma_wait3A_76 : memref<128x16xf32, #tpu.memory_space<vmem>>)
    "tpu.region"() ({
      %run_scoped3A = tpu.sem_alloc : memref<!tpu.dma_semaphore, #tpu.memory_space<semaphore_mem>>
      %dma_start3A_83 = arith.constant 0 : i32
      %dma_start3A_84 = tpu.memref_slice %arg5[%mul3A_2, %dma_start3A_83] : memref<8192x32xf32, #tpu.memory_space<hbm>> -> memref<256x32xf32, #tpu.memory_space<hbm>>
      %dma_start3A_85 = arith.constant 0 : i32
      %dma_start3A_86 = tpu.memref_slice %arg5[%mul3A_2, %dma_start3A_85] : memref<8192x32xf32, #tpu.memory_space<hbm>> -> memref<256x32xf32, #tpu.memory_space<hbm>>
      tpu.enqueue_dma source(%arg8 : memref<256x32xf32, #tpu.memory_space<vmem>>) target(%dma_start3A_86 : memref<256x32xf32, #tpu.memory_space<hbm>>) target_semaphore(%run_scoped3A : memref<!tpu.dma_semaphore, #tpu.memory_space<semaphore_mem>>)
      %dma_wait3A_87 = arith.constant 0 : i32
      %dma_wait3A_88 = tpu.memref_slice %arg5[%mul3A_2, %dma_wait3A_87] : memref<8192x32xf32, #tpu.memory_space<hbm>> -> memref<256x32xf32, #tpu.memory_space<hbm>>
      %dma_wait3A_89 = arith.constant 0 : i32
      %dma_wait3A_90 = tpu.memref_slice %arg5[%mul3A_2, %dma_wait3A_89] : memref<8192x32xf32, #tpu.memory_space<hbm>> -> memref<256x32xf32, #tpu.memory_space<hbm>>
      tpu.wait_dma2 semaphore(%run_scoped3A : memref<!tpu.dma_semaphore, #tpu.memory_space<semaphore_mem>>) src(%arg8 : memref<256x32xf32, #tpu.memory_space<vmem>>) dst(%dma_wait3A_90 : memref<256x32xf32, #tpu.memory_space<hbm>>)
      tpu.yield
    }) : () -> ()
    "tpu.region"() ({
      %run_scoped3A = tpu.sem_alloc : memref<!tpu.dma_semaphore, #tpu.memory_space<semaphore_mem>>
      %dma_start3A_83 = arith.constant 0 : i32
      %dma_start3A_84 = tpu.memref_slice %arg6[%mul3A_2, %dma_start3A_83] : memref<8192x16xf32, #tpu.memory_space<hbm>> -> memref<256x16xf32, #tpu.memory_space<hbm>>
      %dma_start3A_85 = arith.constant 0 : i32
      %dma_start3A_86 = tpu.memref_slice %arg6[%mul3A_2, %dma_start3A_85] : memref<8192x16xf32, #tpu.memory_space<hbm>> -> memref<256x16xf32, #tpu.memory_space<hbm>>
      tpu.enqueue_dma source(%arg9 : memref<256x16xf32, #tpu.memory_space<vmem>>) target(%dma_start3A_86 : memref<256x16xf32, #tpu.memory_space<hbm>>) target_semaphore(%run_scoped3A : memref<!tpu.dma_semaphore, #tpu.memory_space<semaphore_mem>>)
      %dma_wait3A_87 = arith.constant 0 : i32
      %dma_wait3A_88 = tpu.memref_slice %arg6[%mul3A_2, %dma_wait3A_87] : memref<8192x16xf32, #tpu.memory_space<hbm>> -> memref<256x16xf32, #tpu.memory_space<hbm>>
      %dma_wait3A_89 = arith.constant 0 : i32
      %dma_wait3A_90 = tpu.memref_slice %arg6[%mul3A_2, %dma_wait3A_89] : memref<8192x16xf32, #tpu.memory_space<hbm>> -> memref<256x16xf32, #tpu.memory_space<hbm>>
      tpu.wait_dma2 semaphore(%run_scoped3A : memref<!tpu.dma_semaphore, #tpu.memory_space<semaphore_mem>>) src(%arg9 : memref<256x16xf32, #tpu.memory_space<vmem>>) dst(%dma_wait3A_90 : memref<256x16xf32, #tpu.memory_space<hbm>>)
      tpu.yield
    }) : () -> ()
    return
  }
}

module attributes {stable_mosaic.version = 14 : i64} {
  func.func @_argmin_body(%arg0: i32, %arg1: memref<1024x32xf32, #tpu.memory_space<vmem>>, %arg2: memref<1024x32xbf16, #tpu.memory_space<vmem>>, %arg3: memref<8192x32xf32, #tpu.memory_space<vmem>>, %arg4: memref<8192x32xbf16, #tpu.memory_space<vmem>>, %arg5: memref<8192x1xf32, #tpu.memory_space<vmem>>, %arg6: memref<1024xi32, #tpu.memory_space<vmem>>, %arg7: memref<8192x16xf32, #tpu.memory_space<vmem>>, %arg8: memref<1x1xf32, #tpu.memory_space<vmem>>) attributes {dimension_semantics = [#tpu.dimension_semantics<arbitrary>], iteration_bounds = array<i64: 8>, scalar_prefetch = 0 : i64, scratch_operands = 0 : i64, tpu.core_type = #tpu.core_type<tc>, window_params = [{transform_indices = @transform_0, window_bounds = array<i64: 1024, 32>}, {transform_indices = @transform_1, window_bounds = array<i64: 1024, 32>}, {pipeline_mode = #tpu.pipeline_mode<synchronous>, transform_indices = @transform_2, window_bounds = array<i64: 8192, 32>}, {pipeline_mode = #tpu.pipeline_mode<synchronous>, transform_indices = @transform_3, window_bounds = array<i64: 8192, 32>}, {pipeline_mode = #tpu.pipeline_mode<synchronous>, transform_indices = @transform_4, window_bounds = array<i64: 8192, 1>}, {transform_indices = @transform_5, window_bounds = array<i64: 1024>}, {pipeline_mode = #tpu.pipeline_mode<synchronous>, transform_indices = @transform_6, window_bounds = array<i64: 8192, 16>}, {pipeline_mode = #tpu.pipeline_mode<synchronous>, transform_indices = @transform_7, window_bounds = array<i64: 1, 1>}]} {
    %get3A = arith.constant 0 : index
    %get3A_0 = arith.constant 0 : index
    %get3A_1 = vector.load %arg1[%get3A, %get3A_0] : memref<1024x32xf32, #tpu.memory_space<vmem>>, vector<1024x32xf32>
    %mul3A = arith.mulf %get3A_1, %get3A_1 : vector<1024x32xf32>
    %reduce_sum3A = arith.constant dense<0.000000e+00> : vector<1024xf32>
    %reduce_sum3A_2 = vector.multi_reduction <add>, %mul3A, %reduce_sum3A [1] : vector<1024x32xf32> to vector<1024xf32>
    %get3A_3 = arith.constant 0 : index
    %get3A_4 = arith.constant 0 : index
    %get3A_5 = vector.load %arg2[%get3A_3, %get3A_4] : memref<1024x32xbf16, #tpu.memory_space<vmem>>, vector<1024x32xbf16>
    %broadcast_in_dim3A = arith.constant 0x7F800000 : f32
    %broadcast_in_dim3A_6 = vector.broadcast %broadcast_in_dim3A : f32 to vector<1024xf32>
    %broadcast_in_dim3A_7 = arith.constant 0 : i32
    %broadcast_in_dim3A_8 = vector.broadcast %broadcast_in_dim3A_7 : i32 to vector<1024xi32>
    %scan3A = arith.constant 0 : i32
    %scan3A_9 = arith.constant 4 : i32
    %scan3A_10 = arith.addi %scan3A, %scan3A_9 : i32
    %scan3A_11 = arith.constant 1 : i32
    %scan3A_12:2 = scf.for %scan3A_17 = %scan3A to %scan3A_10 step %scan3A_11 iter_args(%scan3A_18 = %broadcast_in_dim3A_6, %scan3A_19 = %broadcast_in_dim3A_8) -> (vector<1024xf32>, vector<1024xi32>)  : i32 {
      %mul3A_20 = arith.constant 2048 : i32
      %mul3A_21 = arith.muli %scan3A_17, %mul3A_20 : i32
      %get3A_22 = arith.index_cast %mul3A_21 : i32 to index
      %get3A_23 = arith.constant 0 : index
      %get3A_24 = vector.load %arg3[%get3A_22, %get3A_23] : memref<8192x32xf32, #tpu.memory_space<vmem>>, vector<2048x32xf32>
      %mul3A_25 = arith.mulf %get3A_24, %get3A_24 : vector<2048x32xf32>
      %reduce_sum3A_26 = arith.constant dense<0.000000e+00> : vector<2048xf32>
      %reduce_sum3A_27 = vector.multi_reduction <add>, %mul3A_25, %reduce_sum3A_26 [1] : vector<2048x32xf32> to vector<2048xf32>
      %mul3A_28 = arith.constant 2048 : i32
      %mul3A_29 = arith.muli %scan3A_17, %mul3A_28 : i32
      %get3A_30 = arith.index_cast %mul3A_29 : i32 to index
      %get3A_31 = arith.constant 0 : index
      %get3A_32 = vector.load %arg4[%get3A_30, %get3A_31] : memref<8192x32xbf16, #tpu.memory_space<vmem>>, vector<2048x32xbf16>
      %dot_general3A = arith.constant dense<0.000000e+00> : vector<1024x2048xf32>
      %dot_general3A_33 = tpu.matmul %get3A_5, %get3A_32, %dot_general3A {dimension_numbers = #tpu.dot_dimension_numbers<[1], [1], [0], [0], [0, 0, 1, 0], [], []>, transpose_lhs_hint = false} : vector<1024x32xbf16>, vector<2048x32xbf16>, vector<1024x2048xf32> -> vector<1024x2048xf32>
      %broadcast_in_dim3A_34 = vector.shape_cast %reduce_sum3A_2 : vector<1024xf32> to vector<1024x1xf32>
      %sub3A = vector.broadcast %broadcast_in_dim3A_34 : vector<1024x1xf32> to vector<1024x2048xf32>
      %sub3A_35 = arith.subf %sub3A, %dot_general3A_33 : vector<1024x2048xf32>
      %broadcast_in_dim3A_36 = vector.shape_cast %reduce_sum3A_27 : vector<2048xf32> to vector<1x2048xf32>
      %add3A = vector.broadcast %broadcast_in_dim3A_36 : vector<1x2048xf32> to vector<1024x2048xf32>
      %add3A_37 = arith.addf %sub3A_35, %add3A : vector<1024x2048xf32>
      %reduce_min3A = arith.constant dense<0x7F800000> : vector<1024xf32>
      %reduce_min3A_38 = vector.multi_reduction <minimumf>, %add3A_37, %reduce_min3A [1] : vector<1024x2048xf32> to vector<1024xf32>
      %iota3A = tpu.iota {dimensions = array<i32: 1>} : vector<1024x2048xi32>
      %broadcast_in_dim3A_39 = vector.shape_cast %reduce_min3A_38 : vector<1024xf32> to vector<1024x1xf32>
      %eq3A_40 = vector.broadcast %broadcast_in_dim3A_39 : vector<1024x1xf32> to vector<1024x2048xf32>
      %eq3A_41 = arith.cmpf oeq, %add3A_37, %eq3A_40 : vector<1024x2048xf32>
      %jit3A = arith.constant 1073741824 : i32
      %broadcast_in_dim3A_42 = vector.broadcast %jit3A : i32 to vector<1024x2048xi32>
      %select_n3A = arith.select %eq3A_41, %iota3A, %broadcast_in_dim3A_42 : vector<1024x2048xi1>, vector<1024x2048xi32>
      %reduce_min3A_43 = arith.constant dense<2147483647> : vector<1024xi32>
      %reduce_min3A_44 = vector.multi_reduction <minsi>, %select_n3A, %reduce_min3A_43 [1] : vector<1024x2048xi32> to vector<1024xi32>
      %mul3A_45 = arith.constant 2048 : i32
      %mul3A_46 = arith.muli %scan3A_17, %mul3A_45 : i32
      %add3A_47 = vector.broadcast %mul3A_46 : i32 to vector<1024xi32>
      %add3A_48 = arith.addi %reduce_min3A_44, %add3A_47 : vector<1024xi32>
      %lt3A = arith.cmpf olt, %reduce_min3A_38, %scan3A_18 : vector<1024xf32>
      %bitcast_convert_type3A = tpu.bitcast %reduce_min3A_38 : vector<1024xf32> -> vector<1024xi32>
      %add3A_49 = arith.constant 32767 : i32
      %add3A_50 = vector.broadcast %add3A_49 : i32 to vector<1024xi32>
      %add3A_51 = arith.addi %bitcast_convert_type3A, %add3A_50 : vector<1024xi32>
      %shift_right_logical3A = arith.constant 16 : i32
      %shift_right_logical3A_52 = vector.broadcast %shift_right_logical3A : i32 to vector<1024xi32>
      %shift_right_logical3A_53 = arith.shrui %bitcast_convert_type3A, %shift_right_logical3A_52 : vector<1024xi32>
      %and3A = arith.constant 1 : i32
      %and3A_54 = vector.broadcast %and3A : i32 to vector<1024xi32>
      %and3A_55 = arith.andi %shift_right_logical3A_53, %and3A_54 : vector<1024xi32>
      %add3A_56 = arith.addi %add3A_51, %and3A_55 : vector<1024xi32>
      %and3A_57 = arith.constant -65536 : i32
      %and3A_58 = vector.broadcast %and3A_57 : i32 to vector<1024xi32>
      %and3A_59 = arith.andi %add3A_56, %and3A_58 : vector<1024xi32>
      %bitcast_convert_type3A_60 = tpu.bitcast %and3A_59 : vector<1024xi32> -> vector<1024xf32>
      %select_n3A_61 = arith.select %lt3A, %bitcast_convert_type3A_60, %scan3A_18 : vector<1024xi1>, vector<1024xf32>
      %select_n3A_62 = arith.select %lt3A, %add3A_48, %scan3A_19 : vector<1024xi1>, vector<1024xi32>
      scf.yield %select_n3A_61, %select_n3A_62 : vector<1024xf32>, vector<1024xi32>
    }
    %scan3A_13 = arith.constant 4 : i32
    %swap3A = arith.constant 0 : index
    %swap3A_14 = vector.load %arg6[%swap3A] : memref<1024xi32, #tpu.memory_space<vmem>>, vector<1024xi32>
    tpu.vector_store %arg6[%swap3A], %scan3A_12#1 {strides = array<i32>} : memref<1024xi32, #tpu.memory_space<vmem>>, vector<1024xi32>,
    %eq3A = arith.constant 0 : i32
    %eq3A_15 = arith.cmpi eq, %arg0, %eq3A : i32
    %convert_element_type3A = arith.extui %eq3A_15 : i1 to i32
    %cond3A = arith.constant 0 : i32
    %cond3A_16 = arith.cmpi ne, %convert_element_type3A, %cond3A : i32
    scf.if %cond3A_16 {
      %get3A_17 = arith.constant 0 : index
      %get3A_18 = arith.constant 0 : index
      %get3A_19 = vector.load %arg5[%get3A_17, %get3A_18] : memref<8192x1xf32, #tpu.memory_space<vmem>>, vector<8192x1xf32>
      %max3A = arith.constant 9.99999971E-10 : f32
      %max3A_20 = vector.broadcast %max3A : f32 to vector<8192x1xf32>
      %max3A_21 = arith.maximumf %get3A_19, %max3A_20 : vector<8192x1xf32>
      %log3A = math.log %max3A_21 : vector<8192x1xf32>
      %iota3A = tpu.iota {dimensions = array<i32: 1>} : vector<8192x16xi32>
      %eq3A_22 = arith.constant 0 : i32
      %eq3A_23 = vector.broadcast %eq3A_22 : i32 to vector<8192x16xi32>
      %eq3A_24 = arith.cmpi eq, %iota3A, %eq3A_23 : vector<8192x16xi32>
      %broadcast_in_dim3A_25 = vector.shape_cast %max3A_21 : vector<8192x1xf32> to vector<8192x1xf32>
      %broadcast_in_dim3A_26 = vector.broadcast %broadcast_in_dim3A_25 : vector<8192x1xf32> to vector<8192x16xf32>
      %broadcast_in_dim3A_27 = vector.shape_cast %log3A : vector<8192x1xf32> to vector<8192x1xf32>
      %broadcast_in_dim3A_28 = vector.broadcast %broadcast_in_dim3A_27 : vector<8192x1xf32> to vector<8192x16xf32>
      %select_n3A = arith.select %eq3A_24, %broadcast_in_dim3A_26, %broadcast_in_dim3A_28 : vector<8192x16xi1>, vector<8192x16xf32>
      %swap3A_29 = arith.constant 0 : index
      %swap3A_30 = arith.constant 0 : index
      %swap3A_31 = vector.load %arg7[%swap3A_29, %swap3A_30] : memref<8192x16xf32, #tpu.memory_space<vmem>>, vector<8192x16xf32>
      tpu.vector_store %arg7[%swap3A_29, %swap3A_30], %select_n3A {strides = array<i32>} : memref<8192x16xf32, #tpu.memory_space<vmem>>, vector<8192x16xf32>,
      %mul3A_32 = arith.mulf %max3A_21, %log3A : vector<8192x1xf32>
      %reduce_sum3A_33 = vector.shape_cast %mul3A_32 : vector<8192x1xf32> to vector<1x8192x1xf32>
      %reduce_sum3A_34 = arith.constant dense<0.000000e+00> : vector<1xf32>
      %reduce_sum3A_35 = vector.multi_reduction <add>, %reduce_sum3A_33, %reduce_sum3A_34 [1, 2] : vector<1x8192x1xf32> to vector<1xf32>
      %reduce_sum3A_36 = vector.shape_cast %reduce_sum3A_35 : vector<1xf32> to vector<1x1x1xf32>
      %reduce_sum3A_37 = vector.extract %reduce_sum3A_36[0, 0, 0] : f32 from vector<1x1x1xf32>
      %neg3A = arith.constant 0.000000e+00 : f32
      %neg3A_38 = arith.subf %neg3A, %reduce_sum3A_37 : f32
      %exp3A = math.exp %neg3A_38 : f32
      %broadcast_in_dim3A_39 = vector.broadcast %exp3A : f32 to vector<1x1xf32>
      %swap3A_40 = arith.constant 0 : index
      %swap3A_41 = arith.constant 0 : index
      %swap3A_42 = vector.load %arg8[%swap3A_40, %swap3A_41] : memref<1x1xf32, #tpu.memory_space<vmem>>, vector<1x1xf32>
      tpu.vector_store %arg8[%swap3A_40, %swap3A_41], %broadcast_in_dim3A_39 {strides = array<i32>} : memref<1x1xf32, #tpu.memory_space<vmem>>, vector<1x1xf32>,
    } else {
    }
    return
  }
  func.func @transform_0(%arg0: i32) -> (i32, i32) {
    %c0_i32 = arith.constant 0 : i32
    %c0_i32_0 = arith.constant 0 : i32
    return %arg0, %c0_i32 : i32, i32
  }
  func.func @transform_1(%arg0: i32) -> (i32, i32) {
    %c0_i32 = arith.constant 0 : i32
    %c0_i32_0 = arith.constant 0 : i32
    return %arg0, %c0_i32 : i32, i32
  }
  func.func @transform_2(%arg0: i32) -> (i32, i32) {
    %c0_i32 = arith.constant 0 : i32
    %c0_i32_0 = arith.constant 0 : i32
    %c0_i32_1 = arith.constant 0 : i32
    return %c0_i32, %c0_i32_0 : i32, i32
  }
  func.func @transform_3(%arg0: i32) -> (i32, i32) {
    %c0_i32 = arith.constant 0 : i32
    %c0_i32_0 = arith.constant 0 : i32
    %c0_i32_1 = arith.constant 0 : i32
    return %c0_i32, %c0_i32_0 : i32, i32
  }
  func.func @transform_4(%arg0: i32) -> (i32, i32) {
    %c0_i32 = arith.constant 0 : i32
    %c0_i32_0 = arith.constant 0 : i32
    %c0_i32_1 = arith.constant 0 : i32
    return %c0_i32, %c0_i32_0 : i32, i32
  }
  func.func @transform_5(%arg0: i32) -> i32 {
    %c0_i32 = arith.constant 0 : i32
    return %arg0 : i32
  }
  func.func @transform_6(%arg0: i32) -> (i32, i32) {
    %c0_i32 = arith.constant 0 : i32
    %c0_i32_0 = arith.constant 0 : i32
    %c0_i32_1 = arith.constant 0 : i32
    return %c0_i32, %c0_i32_0 : i32, i32
  }
  func.func @transform_7(%arg0: i32) -> (i32, i32) {
    %c0_i32 = arith.constant 0 : i32
    %c0_i32_0 = arith.constant 0 : i32
    %c0_i32_1 = arith.constant 0 : i32
    return %c0_i32, %c0_i32_0 : i32, i32
  }
}

</mosaic_0001>

<sc_bundles>
// kernel: kernel.4.cloned.1.call-start
scs
__scs_entry_jumppad:
0x0: {  	(pc) =	sbr.rel $0x88, $3  }
0x1: {  	(tag) =	ssettag $0x0;
	lr =	simm.s32 $0x1  }
0x2: {  	[smem:$0x3F9E] =	sst lr;
	_ =	strace $0xD0000000  }
0x3: {  	_ = 	snop  }
0x4: {  	_ = 	snop  }
0x5: {  	_ = 	snop  }
0x6: {  	_ = 	snop  }
0x7: {  	_ = 	snop  }
__scs_overlays_trampoline_lowered:
0x8: {  	[smem:$0x3FAD] =	sst s0  }
0x9: {  	[smem:$0x3FAE] =	sst s1  }
0xa: {  	[smem:$0x3FAF] =	sst s2  }
0xb: {  	[smem:$0x3FB0] =	sst s3  }
0xc: {  	[smem:$0x3FB1] =	sst s4  }
0xd: {  	[smem:$0x3FB2] =	sst s5  }
0xe: {  	[smem:$0x3FB3] =	sst s6  }
0xf: {  	[smem:$0x3FB4] =	sst s7  }
0x10: {  	[smem:$0x3FB5] =	sst s8  }
0x11: {  	[smem:$0x3FB6] =	sst s9;
	s0 =	simm.s32 @!p0 $0x0  }
0x12: {  	s1 =	sld [smem:$0x3F9C];
	s0 =	simm.s32 @p0 $0x1  }
0x13: {  	[smem:$0x3FB7] =	sst s0;
	s0 =	simm.s32 @!p1 $0x0  }
0x14: {  	s2 =	sld [smem:$0x3F9B];
	s0 =	simm.s32 @p1 $0x1  }
0x15: {  	[smem:$0x3FB8] =	sst s0;
	s0 =	simm.s32 @!p2 $0x0  }
0x16: {  	s3 =	sld [smem:$0x3FDB];
	s0 =	simm.s32 @p2 $0x1  }
0x17: {  	s4 =	simm.s32 $0x1BF5;
	[smem:$0x3FBA] =	sst s0  }
0x18: {  	s0 =	sld [smem:$0x3F9D];
	_ =	swait.ge [sflag:s4], $0x0  }
0x19: {  	s7 =	sld [smem:$0x3F9E]  }
0x1a: {  	s8 =	sadd.s32 $0xFFFFE003, lr  }
0x1b: {  	s9 =	sadd.s32 $0xFFFFFEF7, lr;
	s5 =	simm.s32 $0xFFFFFFFF;
	p2 =	slt.u32 s8, $0xFFFFF086  }
0x1c: {  	p1 =	slt.u32 s9, $0xF7A;
	s5 =	simm.s32 @!p2 $0x0  }
0x1d: {  	s5 =	simm.s32 @p1 $0x1;
	p0 =	seq.s32 s7, s2  }
0x1e: {  	s7 =	smul.u32 @!p0 $0xF7A, s2;
	p2 =	seq.s32 @!p0 s5, $0x0  }
0x1f: {  	s9 =	smul.u32 $0xF7A, s1;
	s8 =	simm.s32 @!p0 $0x1BF5;
	p2 =	por !p2, p0  }
0x20: {  	[sflag:s8] =	ssyncset.s32 @!p0 $0xFFFFF086;
	s6 =	sadd.s32 @!p0 s3, s7;
	s7 =	simm.s32 @!p0 $0x108  }
0x21: {  	s3 =	sadd.s32 s3, s9;
	s6 =	sadd.s32 @!p0 $0x88, s6;
	s7 =	simm.s32 @p2 $0x1082  }
0x22: {  	[simem:s7], [sflag:s8] =	dma.local @!p0 [hbm:s6], $0xF7A  }
0x23: {  	s9 =	sor.u32 $0xD0000000, s2;
	s6 =	simm.s32 $0x108;
	_ =	swait.ge @!p0 [sflag:s8], $0x0  }
0x24: {  	s3 =	sadd.s32 $0x88, s3;
	s6 =	simm.s32 @!p1 $0x1082;
	[sflag:s4] =	ssyncset.s32 $0xFFFFF086  }
0x25: {  	[simem:s6], [sflag:s4] =	dma.local [hbm:s3], $0xF7A  }
0x26: {  	[smem:$0x3F9E] =	sst s1;
	(tag) =	ssettag s2;
	_ =	strace s9  }
0x27: {  	s1 =	sld [smem:$0x3FAE]  }
0x28: {  	s2 =	sld [smem:$0x3FAF]  }
0x29: {  	s4 =	sld [smem:$0x3FB1]  }
0x2a: {  	p0 =	seq.s32 s5, $0x0;
	s5 =	sld [smem:$0x3FB2]  }
0x2b: {  	s6 =	sld [smem:$0x3FB3]  }
0x2c: {  	s7 =	sld [smem:$0x3FB4]  }
0x2d: {  	s3 =	simm.s32 $0x108;
	s8 =	sld [smem:$0x3FB5]  }
0x2e: {  	s3 =	simm.s32 @!p0 $0x1082;
	s9 =	sld [smem:$0x3FB6]  }
0x2f: {  	lr =	sadd.s32 s0, s3;
	s0 =	sld [smem:$0x3FAD]  }
0x30: {  	s3 =	sld [smem:$0x3FB0]  }
0x31: {  	[smem:$0x3FB9] =	sst s10  }
0x32: {  	s10 =	sld [smem:$0x3FB7];
	_ =	sdelay $0x3  }
0x33: {  	p0 =	seq.s32 s10, $0x1;
	s10 =	sld [smem:$0x3FB9];
	_ =	sdelay $0x3  }
0x34: {  	[smem:$0x3FB9] =	sst s10  }
0x35: {  	s10 =	sld [smem:$0x3FB8];
	_ =	sdelay $0x3  }
0x36: {  	p1 =	seq.s32 s10, $0x1;
	s10 =	sld [smem:$0x3FB9];
	_ =	sdelay $0x3  }
0x37: {  	[smem:$0x3FB9] =	sst s10  }
0x38: {  	s10 =	sld [smem:$0x3FBA]  }
0x39: {  	_ = 	snop;
	(pc) =	sbr.ind lr, $3  }
0x3a: {  	_ = 	snop  }
0x3b: {  	_ = 	snop  }
0x3c: {  	p2 =	seq.s32 s10, $0x1;
	s10 =	sld [smem:$0x3FB9]  }
0x3d: {  	_ =	shalt  }
0x3e: {  	_ =	shalt  }
0x3f: {  	_ =	shalt  }
0x40: {  	_ =	shalt  }
0x41: {  	_ =	shalt  }
0x42: {  	_ =	shalt  }
0x43: {  	_ =	shalt  }
0x44: {  	_ =	shalt  }
0x45: {  	_ =	shalt  }
0x46: {  	_ =	shalt  }
0x47: {  	_ =	shalt  }
0x48: {  	_ =	shalt  }
0x49: {  	_ =	shalt  }
0x4a: {  	_ =	shalt  }
0x4b: {  	_ =	shalt  }
0x4c: {  	_ =	shalt  }
0x4d: {  	_ =	shalt  }
0x4e: {  	_ =	shalt  }
0x4f: {  	_ =	shalt  }
0x50: {  	_ =	shalt  }
0x51: {  	_ =	shalt  }
0x52: {  	_ =	shalt  }
0x53: {  	_ =	shalt  }
0x54: {  	_ =	shalt  }
0x55: {  	_ =	shalt  }
0x56: {  	_ =	shalt  }
0x57: {  	_ =	shalt  }
0x58: {  	_ =	shalt  }
0x59: {  	_ =	shalt  }
0x5a: {  	_ =	shalt  }
0x5b: {  	_ =	shalt  }
0x5c: {  	_ =	shalt  }
0x5d: {  	_ =	shalt  }
0x5e: {  	_ =	shalt  }
0x5f: {  	_ =	shalt  }
0x60: {  	_ =	shalt  }
0x61: {  	_ =	shalt  }
0x62: {  	_ =	shalt  }
0x63: {  	_ =	shalt  }
0x64: {  	_ =	shalt  }
0x65: {  	_ =	shalt  }
0x66: {  	_ =	shalt  }
0x67: {  	_ =	shalt  }
0x68: {  	_ =	shalt  }
0x69: {  	_ =	shalt  }
0x6a: {  	_ =	shalt  }
0x6b: {  	_ =	shalt  }
0x6c: {  	_ =	shalt  }
0x6d: {  	_ =	shalt  }
0x6e: {  	_ =	shalt  }
0x6f: {  	_ =	shalt  }
0x70: {  	_ =	shalt  }
0x71: {  	_ =	shalt  }
0x72: {  	_ =	shalt  }
0x73: {  	_ =	shalt  }
0x74: {  	_ =	shalt  }
0x75: {  	_ =	shalt  }
0x76: {  	_ =	shalt  }
0x77: {  	_ =	shalt  }
0x78: {  	_ =	shalt  }
0x79: {  	_ =	shalt  }
0x7a: {  	_ =	shalt  }
0x7b: {  	_ =	shalt  }
0x7c: {  	_ =	shalt  }
0x7d: {  	_ =	shalt  }
0x7e: {  	_ =	shalt  }
0x7f: {  	_ =	shalt  }
0x80: {  	_ =	shalt  }
0x81: {  	_ =	shalt  }
0x82: {  	_ =	shalt  }
0x83: {  	_ =	shalt  }
0x84: {  	_ =	shalt  }
0x85: {  	_ =	shalt  }
0x86: {  	_ =	shalt  }
0x87: {  	_ =	shalt  }
.Lfunc_end0:
.L_simem_size_0:
called_computation_lowered:
.L_overlay_start_0:
0x88: {  	s2 =	sld [smem:$0x3FD9]  }
0x89: {  	s3 =	sld [smem:$0x3FFE];
	_ =	sdelay $0x1  }
0x8a: {  	s1 =	srdreg.scid  }
0x8b: {  	s0 =	sand.u32 $0x1, s1  }
0x8c: {  	s14 =	sshll.u32 s0, $0xA;
	s2 =	sadd.s32 s3, s2  }
0x8d: {  	s2 =	sadd.s32 s2, s14  }
0x8e: {  	[smem:$0x3FC5] =	sst s2  }
0x8f: {  	_ = 	snop  }
0x90: {  	s2 =	sld [smem:$0x3FD0];
	_ =	sdelay $0x2  }
0x91: {  	s15 =	simm.s32 $0xA;
	s4 =	simm.s32 $0x10  }
0x92: {  	[smem:s4], [sflag:s15] =	dma.local [hbm:s2], $0x1  }
0x93: {  	_ =	swait.eq [sflag:s15], $0x1  }
0x94: {  	s16 =	sld [smem:$0x10];
	[sflag:s15] =	ssyncset.done $0x0  }
0x95: {  	s17 =	sld [smem:$0x11];
	[sflag:s15] =	ssyncadd.s32 $0xFFFFFFFF  }
0x96: {  	s18 =	sld [smem:$0x14];
	(tm) =	ssettm $0x1  }
0x97: {  	s5 =	sld [smem:$0x3FFB];
	_ =	sdelay $0x3  }
0x98: {  	_ =	strace s5  }
0x99: {  	s5 =	sld [smem:$0x3FFC];
	_ =	sdelay $0x3  }
0x9a: {  	_ =	strace s5  }
0x9b: {  	s5 =	sld [smem:$0x3FFD];
	_ =	sdelay $0x3  }
0x9c: {  	_ =	strace s5  }
0x9d: {  	_ =	strace $0x8FFFFFFF  }
0x9e: {  	s19 =	sld [smem:$0x3FDB];
	_ =	sdelay $0x1  }
0x9f: {  	s6 =	simm.s32 $_scs_section_size  }
0xa0: {  	s7 =	simm.s32 $_size__tile_overlayer_lowered;
	s8 =	simm.s32 $_tile_overlayer_lowered  }
0xa1: {  	s22 =	simm.s32 $0x1BFF;
	s21 =	sshll.u32 s8, $0x1;
	s5 =	sadd.s32 s6, s19  }
0xa2: {  	s9 =	simm.s32 $0x0;
	s20 =	sshll.u32 s7, $0x1;
	s7 =	sadd.s32 s21, s5  }
0xa3: {  	[timem:s9], [sflag:s22] =	dma.local [hbm:s7], s20  }
0xa4: {  	_ =	swait.ge [sflag:s22], s20  }
0xa5: {  	s6 =	ssub.s32 $0x0, s20;
	[sflag:s22] =	ssyncset.done $0x0  }
0xa6: {  	[sflag:s22] =	ssyncadd.s32 s6;
	_ =	sdelay $0x1  }
0xa7: {  	s23 =	simm.s32 $0x1B8B  }
0xa8: {  	_ =	swait.ge [sflag:s23], $0x1  }
0xa9: {  	[sflag:s23] =	ssyncset.done $0x0  }
0xaa: {  	s25 =	simm.s32 $0x1B8E;
	s24 =	sld [smem:$0x3FFE];
	[sflag:s23] =	ssyncadd.s32 $0xFFFFFFFF  }
0xab: {  	s26 =	simm.s32 $execute0_lowered;
	[smem:$0x3FD2] =	sst s25  }
0xac: {  	s7 =	sshll.u32 s26, $0x1;
	_ =	strace $0x80000046;
	[dreg:$0x1] =	wrdreg $0xFFFFFFFF  }
0xad: {  	s28 =	simm.s32 $_size_execute0_lowered;
	s5 =	sadd.s32 s5, s7;
	[dreg:$0x0] =	wrdreg $0x0  }
0xae: {  	s7 =	sshll.u32 s28, $0x1;
	[dreg:$0x2] =	wrdreg s5  }
0xaf: {  	[dreg:$0x3] =	wrdreg s7  }
0xb0: {  	[dreg:$0x4] =	wrdreg $0xC0  }
0xb1: {  	_ =	task [dreg:s9], $0x5FFFF  }
0xb2: {  	[dreg:$0x1] =	wrdreg $0xFFFFFFFF  }
0xb3: {  	[dreg:$0x0] =	wrdreg $0x60  }
0xb4: {  	[dreg:$0x2] =	wrdreg s18  }
0xb5: {  	[dreg:$0x3] =	wrdreg s17  }
0xb6: {  	[dreg:$0x4] =	wrdreg s24  }
0xb7: {  	[dreg:$0x5] =	wrdreg s16  }
0xb8: {  	[dreg:$0x6] =	wrdreg $0x9  }
0xb9: {  	_ =	task.clear_ibuf [dreg:s9], $0x7FFFF;
	_ =	strace $0x90000046  }
0xba: {  	s29 =	simm.s32 $0x9;
	_ =	strace $0x80000048  }
0xbb: {  	_ =	swait.ge [sflag:s29], $0x1  }
0xbc: {  	[sflag:s29] =	ssyncadd.s32 $0xFFFFFFFF  }
0xbd: {  	_ =	strace $0x90000048  }
0xbe: {  	_ =	sfence  }
0xbf: {  	s30 =	sld [smem:$0x0];
	_ =	sdelay $0x2  }
0xc0: {  	s31 =	sshll.u32 s1, $0xD;
	s1 =	sshrl.u32 s1, $0x2  }
0xc1: {  	s3 =	sand.u32 $0x4000, s31;
	s1 =	sadd.s32 s1, s30  }
0xc2: {  	s0 =	sor.u32 s3, s0;
	s1 =	sshll.u32 s1, $0x11  }
0xc3: {  	s0 =	sor.u32 s1, s0  }
0xc4: {  	s0 =	sadd.s32 $0x8F2B, s0  }
0xc5: {  	[sflag:s0] =	ssyncadd.remote.s32 $0x1  }
0xc6: {  	_ =	sfence.sel $0xFFFF  }
0xc7: {  	[dreg:$0x0] =	wrdreg $0xFFFFFFFF;
	(pc) =	sbr.abs _section_cstart, $3  }
0xc8: {  	[dreg:$0x1] =	wrdreg $0xFFFFFFFF  }
0xc9: {  	_ =	task.clear_ibuf [dreg:s9], $0x2FFFF;
	_ =	strace $0x9FFFFFFF  }
0xca: {  	(tm) =	ssettm $0x7FFFFFFF  }
0xcb: {  	_ =	shalt  }
tec
execute0_lowered:
.L_overlay_start_1:
0x0: {  	(tag) =	ssettag $0x1  }
0x1: {  	s4 =	rddreg [dreg:$0x0]  }
0x2: {  	s2 =	rddreg [dreg:$0x1]  }
0x3: {  	s14 =	rddreg [dreg:$0x2]  }
0x4: {  	s1 =	srdreg.scid;
	s0 =	stileid.u32  }
0x5: {  	s13 =	rddreg [dreg:$0x3];
	s15 =	sand.u32 $0x1, s1;
	s5 =	sshll.u32 s0, $0x1  }
0x6: {  	s3 =	simm.s32 $0x0;
	s1 =	rddreg [dreg:$0x4];
	s16 =	sor.u32 s15, s5  }
0x7: {  	[smem:$0x7FF] =	sst s3;
	s5 =	sshll.u32 s16, $0x5  }
0x8: {  	_ =	strace $0x80000047;
	s5 =	sadd.s32 s4, s5;
	s4 =	simm.s32 $0x2  }
0x9: {  	[tilespmem:s3], [sflag:$0x2] =	stream.linear.gather [hbm4b:s5+s3], $0x100, $0x38;
	[tilespmem:$0x3100] =	vst v63  }
0xa: {  	_ =	swait.ge [sflag:s4], $0x100  }
0xb: {  	[sflag:s4] =	ssyncset.done $0x0  }
0xc: {  	s6 =	simm.s32 $0x80;
	s7 =	simm.s32 $0x100;
	[sflag:s4] =	ssyncadd.s32 $0xFFFFFF00  }
0xd: {  	[tilespmem:s7], [sflag:$0x1] =	stream.indirect.gather [hbm4b:s2+s6], $0x20, s3, s6, $0xb8;
	[tilespmem:$0x3100] =	vst v63  }
0xe: {  	s9 =	simm.s32 $0x2100;
	s8 =	sadd.s32 $0x1000, s14  }
0xf: {  	[tilespmem:s9], [sflag:$0x1] =	stream.indirect.gather [hbm4b:s8+s6], $0x10, s3, s6, $0xb8;
	[tilespmem:$0x3100] =	vst v63  }
0x10: {  	s10 =	simm.s32 $0x1100  }
0x11: {  	[tilespmem:s10], [sflag:$0x1] =	stream.indirect.gather [hbm4b:s2+s6], $0x20, s6, s6, $0xb8;
	[tilespmem:$0x3100] =	vst v63  }
0x12: {  	s11 =	simm.s32 $0x2900;
	s12 =	simm.s32 $0x1  }
0x13: {  	[tilespmem:s11], [sflag:$0x1] =	stream.indirect.gather [hbm4b:s8+s6], $0x10, s6, s6, $0xb8;
	[tilespmem:$0x3100] =	vst v63  }
0x14: {  	_ =	swait.ge [sflag:s12], $0x1000  }
0x15: {  	[sflag:s12] =	ssyncset.done $0x0  }
0x16: {  	[sflag:s12] =	ssyncadd.s32 $0xFFFFF000  }
0x17: {  	_ =	swait.ge [sflag:s12], $0x800  }
0x18: {  	[sflag:s12] =	ssyncset.done $0x0  }
0x19: {  	[sflag:s12] =	ssyncadd.s32 $0xFFFFF800  }
0x1a: {  	_ =	swait.ge [sflag:s12], $0x1000  }
0x1b: {  	[sflag:s12] =	ssyncset.done $0x0  }
0x1c: {  	s15 =	ssub.s32 $0x2, s15;
	[sflag:s12] =	ssyncadd.s32 $0xFFFFF000  }
0x1d: {  	s31 =	sshrl.u32 s15, $0x1;
	_ =	swait.ge [sflag:s12], $0x800  }
0x1e: {  	s17 =	sshll.u32 s16, $0xA;
	s15 =	ssub.s32 s15, s31;
	[sflag:s12] =	ssyncset.done $0x0  }
0x1f: {  	s13 =	sadd.s32 s13, s17;
	s15 =	smax.u32 s15, $0x1;
	[sflag:s12] =	ssyncadd.s32 $0xFFFFF800  }
0x20: {  	[hbm4b:s13+s3] =	stream.linear.scatter [tilespmem:s7], [sflag:$0x2], $0x2000, $0x38;
	[tilespmem:$0x3100] =	vst v63  }
0x21: {  	s16 =	sshll.u32 s16, $0x9;
	p0 =	sne.s32 s15, $0x1;
	_ =	swait.ge [sflag:s4], $0x2000  }
.Ltmp0:
0x22: {  	s14 =	sadd.s32 s16, s14;
	[sflag:s4] =	ssyncset.done $0x0;
	(pc) =	sbr.rel @!p0 .LBB2_2-.Ltmp0, $4  }
0x23: {  	s14 =	sadd.s32 $0x5000, s14;
	[sflag:s4] =	ssyncadd.s32 $0xFFFFE000  }
0x24: {  	[hbm4b:s14+s3] =	stream.linear.scatter [tilespmem:s9], [sflag:$0x2], $0x1000, $0x38;
	[tilespmem:$0x3100] =	vst v63  }
0x25: {  	_ =	swait.ge [sflag:s4], $0x1000  }
0x26: {  	s15 =	sadd.s32 $0xFFFFFFFF, s15;
	[sflag:s4] =	ssyncset.done $0x0  }
.LBB2_1:
0x27: {  	p0 =	sne.s32 s15, $0x1;
	s15 =	sadd.s32 $0xFFFFFFFF, s15;
	[sflag:s4] =	ssyncadd.s32 $0xFFFFF000  }
0x28: {  	[tilespmem:s3], [sflag:$0x2] =	stream.linear.gather [hbm4b:s5+s3], $0x100, $0x38;
	[tilespmem:$0x3100] =	vst v63  }
0x29: {  	_ =	swait.ge [sflag:s4], $0x100  }
0x2a: {  	[sflag:s4] =	ssyncset.done $0x0  }
0x2b: {  	[sflag:s4] =	ssyncadd.s32 $0xFFFFFF00  }
0x2c: {  	[tilespmem:s7], [sflag:$0x1] =	stream.indirect.gather [hbm4b:s2+s6], $0x20, s3, s6, $0xb8;
	[tilespmem:$0x3100] =	vst v63  }
0x2d: {  	_ = 	snop  }
0x2e: {  	[tilespmem:s9], [sflag:$0x1] =	stream.indirect.gather [hbm4b:s8+s6], $0x10, s3, s6, $0xb8;
	[tilespmem:$0x3100] =	vst v63  }
0x2f: {  	_ = 	snop  }
0x30: {  	[tilespmem:s10], [sflag:$0x1] =	stream.indirect.gather [hbm4b:s2+s6], $0x20, s6, s6, $0xb8;
	[tilespmem:$0x3100] =	vst v63  }
0x31: {  	_ = 	snop  }
0x32: {  	[tilespmem:s11], [sflag:$0x1] =	stream.indirect.gather [hbm4b:s8+s6], $0x10, s6, s6, $0xb8;
	[tilespmem:$0x3100] =	vst v63  }
0x33: {  	_ =	swait.ge [sflag:s12], $0x1000  }
0x34: {  	[sflag:s12] =	ssyncset.done $0x0  }
0x35: {  	[sflag:s12] =	ssyncadd.s32 $0xFFFFF000  }
0x36: {  	_ =	swait.ge [sflag:s12], $0x800  }
0x37: {  	[sflag:s12] =	ssyncset.done $0x0  }
0x38: {  	[sflag:s12] =	ssyncadd.s32 $0xFFFFF800  }
0x39: {  	_ =	swait.ge [sflag:s12], $0x1000  }
0x3a: {  	[sflag:s12] =	ssyncset.done $0x0  }
0x3b: {  	[sflag:s12] =	ssyncadd.s32 $0xFFFFF000  }
0x3c: {  	_ =	swait.ge [sflag:s12], $0x800  }
0x3d: {  	[sflag:s12] =	ssyncset.done $0x0  }
0x3e: {  	[sflag:s12] =	ssyncadd.s32 $0xFFFFF800  }
0x3f: {  	[hbm4b:s13+s3] =	stream.linear.scatter [tilespmem:s7], [sflag:$0x2], $0x2000, $0x38;
	[tilespmem:$0x3100] =	vst v63  }
0x40: {  	_ =	swait.ge [sflag:s4], $0x2000  }
.Ltmp1:
0x41: {  	[sflag:s4] =	ssyncset.done $0x0;
	(pc) =	sbr.rel @p0 .LBB2_1-.Ltmp1, $4  }
0x42: {  	[sflag:s4] =	ssyncadd.s32 $0xFFFFE000  }
0x43: {  	[hbm4b:s14+s3] =	stream.linear.scatter [tilespmem:s9], [sflag:$0x2], $0x1000, $0x38;
	[tilespmem:$0x3100] =	vst v63  }
0x44: {  	_ =	swait.ge [sflag:s4], $0x1000  }
0x45: {  	[sflag:s4] =	ssyncset.done $0x0  }
.LBB2_2:
0x46: {  	[sflag:s4] =	ssyncadd.s32 $0xFFFFF000  }
0x47: {  	_ =	sfence.sel $0x180000  }
0x48: {  	[bflag:$0x0] =	sbarrier.arrive $0xFFFF  }
0x49: {  	p0 =	sne.s32 s0, $0x0;
	_ =	strace $0x90000047  }
0x4a: {  	s0 =	sadd.s32 @!p0 $0x100000, s1;
	[bflag:$0x2] =	sbarrier.arrive $0xFFFF  }
0x4b: {  	[sflag:s0] =	ssyncadd.tile.s32 @!p0 $0x1;
	_ =	shalt  }
.Lfunc_end2:
_tile_overlayer_lowered:
.L_overlay_start_2:
0x4c: {  	(tag) =	ssettag $0x2  }
0x4d: {  	s0 =	rddreg [dreg:$0x0];
	s2 =	stileid.u32  }
0x4e: {  	s1 =	rddreg [dreg:$0x1];
	p0 =	sne.s32 s2, $0x0  }
0x4f: {  	s3 =	rddreg [dreg:$0x2];
	[bflag:$0x3] =	sbarrier.arrive $0xFFFF;
	s2 =	simm.s32 @!p0 $0x1C02  }
0x50: {  	[timem:s3], [sflag:s2] =	dma.local @!p0 [hbm:s0], s1  }
0x51: {  	s0 =	simm.s32 @!p0 $0x2  }
0x52: {  	_ =	swait.ge @!p0 [sflag:s0], s1  }
0x53: {  	s1 =	ssub.s32 @!p0 $0x0, s1;
	[sflag:s0] =	ssyncset.done @!p0 $0x0  }
0x54: {  	[sflag:s0] =	ssyncadd.s32 @!p0 s1  }
0x55: {  	[bflag:$0x3] =	sbarrier.arrive $0xFFFF  }
0x56: {  	_ =	shalt  }

</sc_bundles>
